<compile_context>
chip_gen: v7x
topology: tpu7x:2x2x1
jax: 0.10.2.dev20260603
libtpu: 0.0.44.dev20260713+nightly
codegen_flags: <defaults>
</compile_context>

<pallas_src>
import functools

import jax
import jax.numpy as jnp
from jax import lax
from jax.experimental import pallas as pl
from jax.experimental.pallas import tpu as pltpu
from jax.experimental.pallas import tpu_sc as plsc

_K2 = 17
_NC = 1
_NW = 16 * _NC
_IDX_N = 128 * 128
_IDX_PER_W = _IDX_N // _NW
_EMB_N = _K2 * 768
_EMB_PER_W = _EMB_N // _NW


def _sc_body(table_hbm, idx_hbm, emb_hbm, idx_v, emb_v, sem_in, sem_out):
    wid = lax.axis_index("s") * _NC + lax.axis_index("c")

    ebase = wid * _EMB_PER_W
    cp_in = pltpu.async_copy(table_hbm.at[pl.ds(ebase, _EMB_PER_W)],
                             emb_v, sem_in)

    lane = lax.iota(jnp.int32, 16)
    base0 = wid * _IDX_PER_W

    def step(v, _):
        n = base0 + v * 16 + lane
        i = n >> 7
        j = n & 127
        d = i - j
        mag = jnp.minimum((jnp.abs(d) + 1) >> 1, 8)
        off = pl.multiple_of(v * 16, 16)
        idx_v[pl.ds(off, 16)] = i * _K2 + 8 + jnp.where(d < 0, -mag, mag)
        return 0

    lax.fori_loop(0, _IDX_PER_W // 16, step, 0)

    cp_idx = pltpu.async_copy(idx_v, idx_hbm.at[pl.ds(base0, _IDX_PER_W)],
                              sem_out)
    cp_in.wait()
    cp_emb = pltpu.async_copy(emb_v, emb_hbm.at[pl.ds(ebase, _EMB_PER_W)],
                              sem_in)
    cp_idx.wait()
    cp_emb.wait()


def kernel(input_length, device, table):
    mesh = plsc.VectorSubcoreMesh(
        core_axis_name="c", subcore_axis_name="s", num_cores=_NC)
    run = functools.partial(
        pl.kernel,
        mesh=mesh,
        out_type=(
            jax.ShapeDtypeStruct((_IDX_N,), jnp.int32),
            jax.ShapeDtypeStruct((_EMB_N,), jnp.float32),
        ),
        scratch_types=[
            pltpu.VMEM((_IDX_PER_W,), jnp.int32),
            pltpu.VMEM((_EMB_PER_W,), jnp.float32),
            pltpu.SemaphoreType.DMA,
            pltpu.SemaphoreType.DMA,
        ],
    )(_sc_body)
    idx, emb_flat = run(table.reshape(-1))
    return idx, emb_flat.reshape(_K2, 12, 64)

# --- scband reference (transcript-rebuilt; emitter-appended) ---
"""Pipeline reference for scband-lfhcrel-pos-emb-80504866996454 (READ-ONLY COPY).

The authoritative reference and input builder live on the scoring server;
editing this copy changes nothing except your own understanding.
"""

import jax, jax.numpy as jnp
import numpy as np

MAX_K = 8
CUR_LAYER = 2
D_EMBED = 768
N_HEADS = 12
D_HEAD = D_EMBED // N_HEADS


def _build_gather(length):
    max_edge_dis = MAX_K * CUR_LAYER
    K2 = 2 * MAX_K + 1
    x = np.zeros((length, length), dtype=np.int64)
    for i in range(length):
        for j in range(length):
            if i - j < -max_edge_dis:
                x[i, j] = i * K2
            elif i - j > max_edge_dis:
                x[i, j] = (i + 1) * K2 - 1
            elif i - j < 0:
                dis = j - i
                for k in range(MAX_K):
                    if k * CUR_LAYER < dis <= (k + 1) * CUR_LAYER:
                        x[i, j] = i * K2 + (MAX_K - (k + 1))
                        break
            elif i - j > 0:
                dis = i - j
                for k in range(MAX_K):
                    if k * CUR_LAYER < dis <= (k + 1) * CUR_LAYER:
                        x[i, j] = i * K2 + (MAX_K + (k + 1))
                        break
            else:
                x[i, j] = i * K2 + MAX_K
    return x.reshape(-1)


def setup_inputs(seed: int = 0):
    key = jax.random.key(seed)
    table = jax.random.normal(key, (2 * MAX_K + 1, D_EMBED), dtype=jnp.float32)
    return {
        "input_length": 128,
        "device": jnp.zeros((1,), dtype=jnp.int64),
        "table": table,
    }


def reference(input_length, device, table):
    # gather matrix lookup (precomputed per-length in the torch module)
    gather_indices = jnp.asarray(_build_gather(128)) + (input_length - input_length)
    # embedding(pos_sequence) with pos_sequence = arange(2*max_k+1)
    pos_sequence = jnp.arange(2 * MAX_K + 1)
    emb = jnp.take(table, pos_sequence, axis=0).reshape(2 * MAX_K + 1, N_HEADS, D_HEAD)
    return (gather_indices, emb)

if __name__ == "__main__":
    import jax
    _d = setup_inputs()
    print(jax.jit(kernel)(*tuple(_d.values())))

</pallas_src>

<mosaic_0001>
#map = affine_map<(d0, d1) -> (0)>
module attributes {stable_mosaic.version = 14 : i64} {
  func.func @_sc_body(%arg0: i32, %arg1: i32, %arg2: memref<13056xf32, #tpu.memory_space<hbm>>, %arg3: memref<16384xi32, #tpu.memory_space<hbm>>, %arg4: memref<13056xf32, #tpu.memory_space<hbm>>, %arg5: memref<1024xi32, #tpu.memory_space<vmem>>, %arg6: memref<816xf32, #tpu.memory_space<vmem>>, %arg7: memref<!tpu.dma_semaphore, #tpu.memory_space<semaphore_mem>>, %arg8: memref<!tpu.dma_semaphore, #tpu.memory_space<semaphore_mem>>) attributes {dimension_semantics = [#tpu.dimension_semantics<core_parallel>, #tpu.dimension_semantics<subcore_parallel>], iteration_bounds = array<i64: 1, 16>, scalar_prefetch = 0 : i64, scratch_operands = 4 : i64, tpu.core_type = #tpu.core_type<sc_vector_subcore>, window_params = [{transform_indices = #map}, {transform_indices = #map}, {transform_indices = #map}]} {
    %mul3A = arith.constant 1 : i32
    %mul3A_0 = arith.muli %arg1, %mul3A : i32
    %add3A = arith.addi %mul3A_0, %arg0 : i32
    %mul3A_1 = arith.constant 816 : i32
    %mul3A_2 = arith.muli %add3A, %mul3A_1 : i32
    %dma_start3A = tpu.memref_slice %arg2[%mul3A_2] : memref<13056xf32, #tpu.memory_space<hbm>> -> memref<816xf32, #tpu.memory_space<hbm>>
    %dma_start3A_3 = tpu.memref_slice %arg2[%mul3A_2] : memref<13056xf32, #tpu.memory_space<hbm>> -> memref<816xf32, #tpu.memory_space<hbm>>
    tpu.enqueue_dma source(%dma_start3A_3 : memref<816xf32, #tpu.memory_space<hbm>>) target(%arg6 : memref<816xf32, #tpu.memory_space<vmem>>) target_semaphore(%arg7 : memref<!tpu.dma_semaphore, #tpu.memory_space<semaphore_mem>>)
    %iota3A = tpu.iota {dimensions = array<i32: 0>} : vector<16xi32>
    %mul3A_4 = arith.constant 1024 : i32
    %mul3A_5 = arith.muli %add3A, %mul3A_4 : i32
    %scan3A = arith.constant 0 : i32
    %scan3A_6 = arith.constant 0 : i32
    %scan3A_7 = arith.constant 64 : i32
    %scan3A_8 = arith.addi %scan3A_6, %scan3A_7 : i32
    %scan3A_9 = arith.constant 1 : i32
    %scan3A_10 = scf.for %scan3A_21 = %scan3A_6 to %scan3A_8 step %scan3A_9 iter_args(%scan3A_22 = %scan3A) -> (i32)  : i32 {
      %mul3A_23 = arith.constant 16 : i32
      %mul3A_24 = arith.muli %scan3A_21, %mul3A_23 : i32
      %add3A_25 = arith.addi %mul3A_5, %mul3A_24 : i32
      %add3A_26 = vector.broadcast %add3A_25 : i32 to vector<16xi32>
      %add3A_27 = arith.addi %add3A_26, %iota3A : vector<16xi32>
      %shift_right_arithmetic3A = arith.constant 7 : i32
      %shift_right_arithmetic3A_28 = vector.broadcast %shift_right_arithmetic3A : i32 to vector<16xi32>
      %shift_right_arithmetic3A_29 = arith.shrsi %add3A_27, %shift_right_arithmetic3A_28 : vector<16xi32>
      %and3A = arith.constant 127 : i32
      %and3A_30 = vector.broadcast %and3A : i32 to vector<16xi32>
      %and3A_31 = arith.andi %add3A_27, %and3A_30 : vector<16xi32>
      %sub3A = arith.subi %shift_right_arithmetic3A_29, %and3A_31 : vector<16xi32>
      %abs3A = math.absi %sub3A : vector<16xi32>
      %add3A_32 = arith.constant 1 : i32
      %add3A_33 = vector.broadcast %add3A_32 : i32 to vector<16xi32>
      %add3A_34 = arith.addi %abs3A, %add3A_33 : vector<16xi32>
      %shift_right_arithmetic3A_35 = arith.constant 1 : i32
      %shift_right_arithmetic3A_36 = vector.broadcast %shift_right_arithmetic3A_35 : i32 to vector<16xi32>
      %shift_right_arithmetic3A_37 = arith.shrsi %add3A_34, %shift_right_arithmetic3A_36 : vector<16xi32>
      %min3A = arith.constant 8 : i32
      %min3A_38 = vector.broadcast %min3A : i32 to vector<16xi32>
      %min3A_39 = arith.minsi %shift_right_arithmetic3A_37, %min3A_38 : vector<16xi32>
      %mul3A_40 = arith.constant 16 : i32
      %mul3A_41 = arith.muli %scan3A_21, %mul3A_40 : i32
      %multiple_of3A = tpu.assume_multiple %mul3A_41, 16 : i32
      %mul3A_42 = arith.constant 17 : i32
      %mul3A_43 = vector.broadcast %mul3A_42 : i32 to vector<16xi32>
      %mul3A_44 = arith.muli %shift_right_arithmetic3A_29, %mul3A_43 : vector<16xi32>
      %add3A_45 = arith.constant 8 : i32
      %add3A_46 = vector.broadcast %add3A_45 : i32 to vector<16xi32>
      %add3A_47 = arith.addi %mul3A_44, %add3A_46 : vector<16xi32>
      %lt3A = arith.constant 0 : i32
      %lt3A_48 = vector.broadcast %lt3A : i32 to vector<16xi32>
      %lt3A_49 = arith.cmpi slt, %sub3A, %lt3A_48 : vector<16xi32>
      %neg3A = arith.constant 0 : i32
      %neg3A_50 = vector.broadcast %neg3A : i32 to vector<16xi32>
      %neg3A_51 = arith.subi %neg3A_50, %min3A_39 : vector<16xi32>
      %select_n3A = arith.select %lt3A_49, %neg3A_51, %min3A_39 : vector<16xi1>, vector<16xi32>
      %add3A_52 = arith.addi %add3A_47, %select_n3A : vector<16xi32>
      %swap3A = arith.index_cast %multiple_of3A : i32 to index
      %swap3A_53 = tpu.vector_load %arg5[%swap3A] {strides = array<i32>} : memref<1024xi32, #tpu.memory_space<vmem>>, vector<16xi32>,
      %swap3A_54 = vector.shape_cast %swap3A_53 : vector<16xi32> to vector<16xi32>
      %swap3A_55 = vector.shape_cast %add3A_52 : vector<16xi32> to vector<16xi32>
      tpu.vector_store %arg5[%swap3A], %swap3A_55 {strides = array<i32>} : memref<1024xi32, #tpu.memory_space<vmem>>, vector<16xi32>,
      %scan3A_56 = arith.constant 0 : i32
      scf.yield %scan3A_56 : i32
    }
    %scan3A_11 = arith.constant 64 : i32
    %dma_start3A_12 = tpu.memref_slice %arg3[%mul3A_5] : memref<16384xi32, #tpu.memory_space<hbm>> -> memref<1024xi32, #tpu.memory_space<hbm>>
    %dma_start3A_13 = tpu.memref_slice %arg3[%mul3A_5] : memref<16384xi32, #tpu.memory_space<hbm>> -> memref<1024xi32, #tpu.memory_space<hbm>>
    tpu.enqueue_dma source(%arg5 : memref<1024xi32, #tpu.memory_space<vmem>>) target(%dma_start3A_13 : memref<1024xi32, #tpu.memory_space<hbm>>) target_semaphore(%arg8 : memref<!tpu.dma_semaphore, #tpu.memory_space<semaphore_mem>>)
    %dma_wait3A = tpu.memref_slice %arg2[%mul3A_2] : memref<13056xf32, #tpu.memory_space<hbm>> -> memref<816xf32, #tpu.memory_space<hbm>>
    %dma_wait3A_14 = tpu.memref_slice %arg2[%mul3A_2] : memref<13056xf32, #tpu.memory_space<hbm>> -> memref<816xf32, #tpu.memory_space<hbm>>
    tpu.wait_dma2 semaphore(%arg7 : memref<!tpu.dma_semaphore, #tpu.memory_space<semaphore_mem>>) src(%dma_wait3A_14 : memref<816xf32, #tpu.memory_space<hbm>>) dst(%arg6 : memref<816xf32, #tpu.memory_space<vmem>>)
    %dma_start3A_15 = tpu.memref_slice %arg4[%mul3A_2] : memref<13056xf32, #tpu.memory_space<hbm>> -> memref<816xf32, #tpu.memory_space<hbm>>
    %dma_start3A_16 = tpu.memref_slice %arg4[%mul3A_2] : memref<13056xf32, #tpu.memory_space<hbm>> -> memref<816xf32, #tpu.memory_space<hbm>>
    tpu.enqueue_dma source(%arg6 : memref<816xf32, #tpu.memory_space<vmem>>) target(%dma_start3A_16 : memref<816xf32, #tpu.memory_space<hbm>>) target_semaphore(%arg7 : memref<!tpu.dma_semaphore, #tpu.memory_space<semaphore_mem>>)
    %dma_wait3A_17 = tpu.memref_slice %arg3[%mul3A_5] : memref<16384xi32, #tpu.memory_space<hbm>> -> memref<1024xi32, #tpu.memory_space<hbm>>
    %dma_wait3A_18 = tpu.memref_slice %arg3[%mul3A_5] : memref<16384xi32, #tpu.memory_space<hbm>> -> memref<1024xi32, #tpu.memory_space<hbm>>
    tpu.wait_dma2 semaphore(%arg8 : memref<!tpu.dma_semaphore, #tpu.memory_space<semaphore_mem>>) src(%arg5 : memref<1024xi32, #tpu.memory_space<vmem>>) dst(%dma_wait3A_18 : memref<1024xi32, #tpu.memory_space<hbm>>)
    %dma_wait3A_19 = tpu.memref_slice %arg4[%mul3A_2] : memref<13056xf32, #tpu.memory_space<hbm>> -> memref<816xf32, #tpu.memory_space<hbm>>
    %dma_wait3A_20 = tpu.memref_slice %arg4[%mul3A_2] : memref<13056xf32, #tpu.memory_space<hbm>> -> memref<816xf32, #tpu.memory_space<hbm>>
    tpu.wait_dma2 semaphore(%arg7 : memref<!tpu.dma_semaphore, #tpu.memory_space<semaphore_mem>>) src(%arg6 : memref<816xf32, #tpu.memory_space<vmem>>) dst(%dma_wait3A_20 : memref<816xf32, #tpu.memory_space<hbm>>)
    return
  }
}

</mosaic_0001>

<sc_bundles>
// kernel: kernel.3.cloned.1.call-start
scs
__scs_entry_jumppad:
0x0: {  	(pc) =	sbr.rel $0x88, $3  }
0x1: {  	(tag) =	ssettag $0x0;
	lr =	simm.s32 $0x1  }
0x2: {  	[smem:$0x3FA0] =	sst lr;
	_ =	strace $0xD0000000  }
0x3: {  	_ = 	snop  }
0x4: {  	_ = 	snop  }
0x5: {  	_ = 	snop  }
0x6: {  	_ = 	snop  }
0x7: {  	_ = 	snop  }
__scs_overlays_trampoline_lowered:
0x8: {  	[smem:$0x3FAF] =	sst s0  }
0x9: {  	[smem:$0x3FB0] =	sst s1  }
0xa: {  	[smem:$0x3FB1] =	sst s2  }
0xb: {  	[smem:$0x3FB2] =	sst s3  }
0xc: {  	[smem:$0x3FB3] =	sst s4  }
0xd: {  	[smem:$0x3FB4] =	sst s5  }
0xe: {  	[smem:$0x3FB5] =	sst s6  }
0xf: {  	[smem:$0x3FB6] =	sst s7  }
0x10: {  	[smem:$0x3FB7] =	sst s8  }
0x11: {  	[smem:$0x3FB8] =	sst s9;
	s0 =	simm.s32 @!p0 $0x0  }
0x12: {  	s1 =	sld [smem:$0x3F9E];
	s0 =	simm.s32 @p0 $0x1  }
0x13: {  	[smem:$0x3FB9] =	sst s0;
	s0 =	simm.s32 @!p1 $0x0  }
0x14: {  	s2 =	sld [smem:$0x3F9D];
	s0 =	simm.s32 @p1 $0x1  }
0x15: {  	[smem:$0x3FBA] =	sst s0;
	s0 =	simm.s32 @!p2 $0x0  }
0x16: {  	s3 =	sld [smem:$0x3FDB];
	s0 =	simm.s32 @p2 $0x1  }
0x17: {  	s4 =	simm.s32 $0x1BF5;
	[smem:$0x3FBC] =	sst s0  }
0x18: {  	s0 =	sld [smem:$0x3F9F];
	_ =	swait.ge [sflag:s4], $0x0  }
0x19: {  	s7 =	sld [smem:$0x3FA0]  }
0x1a: {  	s8 =	sadd.s32 $0xFFFFE003, lr  }
0x1b: {  	s9 =	sadd.s32 $0xFFFFFEF7, lr;
	s5 =	simm.s32 $0xFFFFFFFF;
	p2 =	slt.u32 s8, $0xFFFFF086  }
0x1c: {  	p1 =	slt.u32 s9, $0xF7A;
	s5 =	simm.s32 @!p2 $0x0  }
0x1d: {  	s5 =	simm.s32 @p1 $0x1;
	p0 =	seq.s32 s7, s2  }
0x1e: {  	s7 =	smul.u32 @!p0 $0xF7A, s2;
	p2 =	seq.s32 @!p0 s5, $0x0  }
0x1f: {  	s9 =	smul.u32 $0xF7A, s1;
	s8 =	simm.s32 @!p0 $0x1BF5;
	p2 =	por !p2, p0  }
0x20: {  	[sflag:s8] =	ssyncset.s32 @!p0 $0xFFFFF086;
	s6 =	sadd.s32 @!p0 s3, s7;
	s7 =	simm.s32 @!p0 $0x108  }
0x21: {  	s3 =	sadd.s32 s3, s9;
	s6 =	sadd.s32 @!p0 $0x88, s6;
	s7 =	simm.s32 @p2 $0x1082  }
0x22: {  	[simem:s7], [sflag:s8] =	dma.local @!p0 [hbm:s6], $0xF7A  }
0x23: {  	s9 =	sor.u32 $0xD0000000, s2;
	s6 =	simm.s32 $0x108;
	_ =	swait.ge @!p0 [sflag:s8], $0x0  }
0x24: {  	s3 =	sadd.s32 $0x88, s3;
	s6 =	simm.s32 @!p1 $0x1082;
	[sflag:s4] =	ssyncset.s32 $0xFFFFF086  }
0x25: {  	[simem:s6], [sflag:s4] =	dma.local [hbm:s3], $0xF7A  }
0x26: {  	[smem:$0x3FA0] =	sst s1;
	(tag) =	ssettag s2;
	_ =	strace s9  }
0x27: {  	s1 =	sld [smem:$0x3FB0]  }
0x28: {  	s2 =	sld [smem:$0x3FB1]  }
0x29: {  	s4 =	sld [smem:$0x3FB3]  }
0x2a: {  	p0 =	seq.s32 s5, $0x0;
	s5 =	sld [smem:$0x3FB4]  }
0x2b: {  	s6 =	sld [smem:$0x3FB5]  }
0x2c: {  	s7 =	sld [smem:$0x3FB6]  }
0x2d: {  	s3 =	simm.s32 $0x108;
	s8 =	sld [smem:$0x3FB7]  }
0x2e: {  	s3 =	simm.s32 @!p0 $0x1082;
	s9 =	sld [smem:$0x3FB8]  }
0x2f: {  	lr =	sadd.s32 s0, s3;
	s0 =	sld [smem:$0x3FAF]  }
0x30: {  	s3 =	sld [smem:$0x3FB2]  }
0x31: {  	[smem:$0x3FBB] =	sst s10  }
0x32: {  	s10 =	sld [smem:$0x3FB9];
	_ =	sdelay $0x3  }
0x33: {  	p0 =	seq.s32 s10, $0x1;
	s10 =	sld [smem:$0x3FBB];
	_ =	sdelay $0x3  }
0x34: {  	[smem:$0x3FBB] =	sst s10  }
0x35: {  	s10 =	sld [smem:$0x3FBA];
	_ =	sdelay $0x3  }
0x36: {  	p1 =	seq.s32 s10, $0x1;
	s10 =	sld [smem:$0x3FBB];
	_ =	sdelay $0x3  }
0x37: {  	[smem:$0x3FBB] =	sst s10  }
0x38: {  	s10 =	sld [smem:$0x3FBC]  }
0x39: {  	_ = 	snop;
	(pc) =	sbr.ind lr, $3  }
0x3a: {  	_ = 	snop  }
0x3b: {  	_ = 	snop  }
0x3c: {  	p2 =	seq.s32 s10, $0x1;
	s10 =	sld [smem:$0x3FBB]  }
0x3d: {  	_ =	shalt  }
0x3e: {  	_ =	shalt  }
0x3f: {  	_ =	shalt  }
0x40: {  	_ =	shalt  }
0x41: {  	_ =	shalt  }
0x42: {  	_ =	shalt  }
0x43: {  	_ =	shalt  }
0x44: {  	_ =	shalt  }
0x45: {  	_ =	shalt  }
0x46: {  	_ =	shalt  }
0x47: {  	_ =	shalt  }
0x48: {  	_ =	shalt  }
0x49: {  	_ =	shalt  }
0x4a: {  	_ =	shalt  }
0x4b: {  	_ =	shalt  }
0x4c: {  	_ =	shalt  }
0x4d: {  	_ =	shalt  }
0x4e: {  	_ =	shalt  }
0x4f: {  	_ =	shalt  }
0x50: {  	_ =	shalt  }
0x51: {  	_ =	shalt  }
0x52: {  	_ =	shalt  }
0x53: {  	_ =	shalt  }
0x54: {  	_ =	shalt  }
0x55: {  	_ =	shalt  }
0x56: {  	_ =	shalt  }
0x57: {  	_ =	shalt  }
0x58: {  	_ =	shalt  }
0x59: {  	_ =	shalt  }
0x5a: {  	_ =	shalt  }
0x5b: {  	_ =	shalt  }
0x5c: {  	_ =	shalt  }
0x5d: {  	_ =	shalt  }
0x5e: {  	_ =	shalt  }
0x5f: {  	_ =	shalt  }
0x60: {  	_ =	shalt  }
0x61: {  	_ =	shalt  }
0x62: {  	_ =	shalt  }
0x63: {  	_ =	shalt  }
0x64: {  	_ =	shalt  }
0x65: {  	_ =	shalt  }
0x66: {  	_ =	shalt  }
0x67: {  	_ =	shalt  }
0x68: {  	_ =	shalt  }
0x69: {  	_ =	shalt  }
0x6a: {  	_ =	shalt  }
0x6b: {  	_ =	shalt  }
0x6c: {  	_ =	shalt  }
0x6d: {  	_ =	shalt  }
0x6e: {  	_ =	shalt  }
0x6f: {  	_ =	shalt  }
0x70: {  	_ =	shalt  }
0x71: {  	_ =	shalt  }
0x72: {  	_ =	shalt  }
0x73: {  	_ =	shalt  }
0x74: {  	_ =	shalt  }
0x75: {  	_ =	shalt  }
0x76: {  	_ =	shalt  }
0x77: {  	_ =	shalt  }
0x78: {  	_ =	shalt  }
0x79: {  	_ =	shalt  }
0x7a: {  	_ =	shalt  }
0x7b: {  	_ =	shalt  }
0x7c: {  	_ =	shalt  }
0x7d: {  	_ =	shalt  }
0x7e: {  	_ =	shalt  }
0x7f: {  	_ =	shalt  }
0x80: {  	_ =	shalt  }
0x81: {  	_ =	shalt  }
0x82: {  	_ =	shalt  }
0x83: {  	_ =	shalt  }
0x84: {  	_ =	shalt  }
0x85: {  	_ =	shalt  }
0x86: {  	_ =	shalt  }
0x87: {  	_ =	shalt  }
.Lfunc_end0:
.L_simem_size_0:
called_computation_lowered:
.L_overlay_start_0:
0x88: {  	s0 =	sld [smem:$0x3FD9]  }
0x89: {  	s1 =	sld [smem:$0x3FFE];
	_ =	sdelay $0x3  }
0x8a: {  	s0 =	sadd.s32 s1, s0  }
0x8b: {  	[smem:$0x3FC7] =	sst s0  }
0x8c: {  	_ = 	snop  }
0x8d: {  	s0 =	sld [smem:$0x3FD0];
	_ =	sdelay $0x2  }
0x8e: {  	s13 =	simm.s32 $0xA;
	s2 =	simm.s32 $0x10  }
0x8f: {  	[smem:s2], [sflag:s13] =	dma.local [hbm:s0], $0x1  }
0x90: {  	_ =	swait.eq [sflag:s13], $0x1  }
0x91: {  	[sflag:s13] =	ssyncset.done $0x0  }
0x92: {  	s14 =	sld [smem:$0x10];
	[sflag:s13] =	ssyncadd.s32 $0xFFFFFFFF  }
0x93: {  	s15 =	sld [smem:$0x11];
	(tm) =	ssettm $0x1  }
0x94: {  	s16 =	sld [smem:$0x3FFB];
	_ =	sdelay $0x3  }
0x95: {  	_ =	strace s16  }
0x96: {  	s2 =	sld [smem:$0x3FFC];
	_ =	sdelay $0x3  }
0x97: {  	_ =	strace s2  }
0x98: {  	s2 =	sld [smem:$0x3FFD];
	_ =	sdelay $0x3  }
0x99: {  	_ =	strace s2  }
0x9a: {  	_ =	strace $0x8FFFFFFF  }
0x9b: {  	s17 =	sld [smem:$0x3FDB];
	_ =	sdelay $0x1  }
0x9c: {  	s3 =	simm.s32 $_scs_section_size  }
0x9d: {  	s4 =	simm.s32 $_size__tile_overlayer_lowered;
	s5 =	simm.s32 $_tile_overlayer_lowered  }
0x9e: {  	s20 =	simm.s32 $0x1BFF;
	s19 =	sshll.u32 s5, $0x1;
	s2 =	sadd.s32 s3, s17  }
0x9f: {  	s6 =	simm.s32 $0x0;
	s18 =	sshll.u32 s4, $0x1;
	s4 =	sadd.s32 s19, s2  }
0xa0: {  	[timem:s6], [sflag:s20] =	dma.local [hbm:s4], s18  }
0xa1: {  	_ =	swait.ge [sflag:s20], s18  }
0xa2: {  	s3 =	ssub.s32 $0x0, s18;
	[sflag:s20] =	ssyncset.done $0x0  }
0xa3: {  	[sflag:s20] =	ssyncadd.s32 s3;
	_ =	sdelay $0x1  }
0xa4: {  	s21 =	simm.s32 $0x1B8B  }
0xa5: {  	_ =	swait.ge [sflag:s21], $0x1  }
0xa6: {  	[sflag:s21] =	ssyncset.done $0x0  }
0xa7: {  	s23 =	simm.s32 $0x1B8E;
	s22 =	sld [smem:$0x3FFE];
	[sflag:s21] =	ssyncadd.s32 $0xFFFFFFFF  }
0xa8: {  	s24 =	simm.s32 $execute0_lowered;
	[smem:$0x3FD2] =	sst s23  }
0xa9: {  	s4 =	sshll.u32 s24, $0x1;
	_ =	strace $0x80000046;
	[dreg:$0x1] =	wrdreg $0xFFFFFFFF  }
0xaa: {  	s25 =	simm.s32 $_size_execute0_lowered;
	s2 =	sadd.s32 s2, s4;
	[dreg:$0x0] =	wrdreg $0x0  }
0xab: {  	s4 =	sshll.u32 s25, $0x1;
	[dreg:$0x2] =	wrdreg s2  }
0xac: {  	[dreg:$0x3] =	wrdreg s4  }
0xad: {  	[dreg:$0x4] =	wrdreg $0xC0  }
0xae: {  	_ =	task [dreg:s6], $0x5FFFF  }
0xaf: {  	[dreg:$0x1] =	wrdreg $0xFFFFFFFF  }
0xb0: {  	[dreg:$0x0] =	wrdreg $0x60  }
0xb1: {  	[dreg:$0x2] =	wrdreg s15  }
0xb2: {  	[dreg:$0x3] =	wrdreg s14  }
0xb3: {  	[dreg:$0x4] =	wrdreg s22  }
0xb4: {  	[dreg:$0x5] =	wrdreg $0x9  }
0xb5: {  	_ =	task.clear_ibuf [dreg:s6], $0x6FFFF;
	_ =	strace $0x90000046  }
0xb6: {  	s26 =	simm.s32 $0x9;
	_ =	strace $0x80000048  }
0xb7: {  	_ =	swait.ge [sflag:s26], $0x1  }
0xb8: {  	[sflag:s26] =	ssyncadd.s32 $0xFFFFFFFF  }
0xb9: {  	_ =	strace $0x90000048  }
0xba: {  	_ =	sfence  }
0xbb: {  	s28 =	sld [smem:$0x0];
	_ =	sdelay $0x1  }
0xbc: {  	s29 =	srdreg.scid  }
0xbd: {  	s30 =	sshll.u32 s29, $0xD;
	s31 =	sshrl.u32 s29, $0x2  }
0xbe: {  	s1 =	sand.u32 $0x1, s29;
	s2 =	sand.u32 $0x4000, s30;
	s0 =	sadd.s32 s31, s28  }
0xbf: {  	s1 =	sor.u32 s2, s1;
	s0 =	sshll.u32 s0, $0x11  }
0xc0: {  	s0 =	sor.u32 s0, s1  }
0xc1: {  	s0 =	sadd.s32 $0x8F2B, s0  }
0xc2: {  	[sflag:s0] =	ssyncadd.remote.s32 $0x1  }
0xc3: {  	_ =	sfence.sel $0xFFFF  }
0xc4: {  	[dreg:$0x0] =	wrdreg $0xFFFFFFFF;
	(pc) =	sbr.abs _section_cstart, $3  }
0xc5: {  	[dreg:$0x1] =	wrdreg $0xFFFFFFFF  }
0xc6: {  	_ =	task.clear_ibuf [dreg:s6], $0x2FFFF;
	_ =	strace $0x9FFFFFFF  }
0xc7: {  	(tm) =	ssettm $0x7FFFFFFF  }
tec
execute0_lowered:
.L_overlay_start_1:
0x0: {  	(tag) =	ssettag $0x1  }
0x1: {  	s0 =	stileid.u32  }
0x2: {  	v1 =	vlaneseq.u32;
	s4 =	sshll.u32 s0, $0xA  }
0x3: {  	v0 =	vmov s4;
	v2 =	vor.u32 s4, v1  }
0x4: {  	s5 =	rddreg [dreg:$0x0];
	v8 =	vshrl.u32 v0, $0x7;
	v9 =	vand.u32 $0x7F, v2  }
0x5: {  	s6 =	rddreg [dreg:$0x1];
	v0 =	vimm.s32 $0x0;
	v2 =	vsub.s32 v8, v9  }
0x6: {  	s7 =	rddreg [dreg:$0x2];
	v3 =	vsub.s32 v0, v2  }
0x7: {  	s1 =	rddreg [dreg:$0x3];
	s3 =	simm.s32 $0x0;
	s8 =	sadd.s32 $0x10, s4;
	v2 =	vmin.u32 v2, v3  }
0x8: {  	s2 =	smul.u32 $0x66, s0;
	[smem:$0x7FF] =	sst s3;
	v5 =	vor.u32 s8, v1;
	v4 =	vxor.u32 v0, v2  }
0x9: {  	s30 =	simm.s32 $0x400;
	s31 =	sshll.u32 s0, $0x7;
	_ =	strace $0x80000047;
	v3 =	vmov s8;
	v6 =	vor.u32 v0, v2;
	v4 =	vshrl.u32 v4, $0x1  }
0xa: {  	s4 =	sadd.s32 $0x800, s7;
	s7 =	simm.s32 $0x80;
	s29 =	sadd.s32 s5, s2;
	v2 =	vshrl.u32 v3, $0x7;
	v3 =	vand.u32 $0x7F, v5;
	v4 =	vsub.s32 v6, v4  }
0xb: {  	[tilespmem:s30], [sflag:$0x1] =	stream.linear.gather [hbm4b:s29+s3], $0x330, $0x38;
	vm0 =	vlt.s32 v8, v9;
	v6 =	vsub.s32 v2, v3;
	v5 =	vmin.u32 v4, $0x8;
	[tilespmem:$0x780] =	vst v63  }
0xc: {  	s5 =	sadd.s32 s6, s31;
	s6 =	simm.s32 $0x40;
	s8 =	sadd.s32 $0x10, s8;
	v4 =	vmul.u32 $0x11, v8;
	v7 =	vsub.s32 v0, v6;
	v8 =	vsub.s32 v0, v5  }
.LBB2_1:
0xd: {  	v9 =	vmov s8;
	v6 =	vmin.u32 v6, v7;
	v5 =	vsel vm0, v8, v5;
	v8 =	vmovc v3;
	s9 =	smov.u32 s7;
	p0 =	sne.s32 s7, $0xFC0  }
.Ltmp0:
0xe: {  	v3 =	vor.u32 s8, v1;
	v7 =	vxor.u32 v0, v6;
	v4 =	vadd.s32 v5, v4;
	(pc) =	sbr.rel @p0 .LBB2_1-.Ltmp0, $4  }
0xf: {  	s7 =	sadd.s32 $0x40, s7;
	s3 =	sshra.s32 s3, $0x2;
	v5 =	vor.u32 v0, v6;
	v6 =	vshrl.u32 v7, $0x1;
	v4 =	vadd.s32 $0x8, v4  }
0x10: {  	v9 =	vshrl.u32 v9, $0x7;
	v3 =	vand.u32 $0x7F, v3;
	v5 =	vsub.s32 v5, v6;
	[tilespmem:s3+$0x0] =	vst v4;
	s3 =	smov.u32 s6;
	s6 =	smov.u32 s9  }
0x11: {  	v6 =	vsub.s32 v9, v3;
	v4 =	vmul.u32 $0x11, v2;
	v5 =	vmin.u32 v5, $0x8  }
0x12: {  	s8 =	sadd.s32 $0x10, s8;
	vm0 =	vlt.s32 v2, v8;
	v2 =	vmovc v9;
	v7 =	vsub.s32 v0, v6;
	v8 =	vsub.s32 v0, v5  }
0x13: {  	v1 =	vmin.u32 v6, v7  }
0x14: {  	v6 =	vxor.u32 v0, v1  }
0x15: {  	v1 =	vor.u32 v0, v1;
	v6 =	vshrl.u32 v6, $0x1  }
0x16: {  	v1 =	vsub.s32 v1, v6  }
0x17: {  	v5 =	vsel vm0, v8, v5;
	v1 =	vmin.u32 v1, $0x8  }
0x18: {  	v60 =	vmul.u32 $0x11, v2;
	vm15 =	vlt.s32 v2, v3;
	v61 =	vsub.s32 v0, v1  }
0x19: {  	v62 =	vadd.s32 v5, v4;
	v0 =	vsel vm15, v61, v1  }
0x1a: {  	s3 =	sshra.s32 s3, $0x2;
	v63 =	vadd.s32 $0x8, v62;
	v0 =	vadd.s32 v0, v60  }
0x1b: {  	s26 =	sshra.s32 s6, $0x2;
	[tilespmem:s3+$0x0] =	vst v63;
	v0 =	vadd.s32 $0x8, v0  }
0x1c: {  	s28 =	simm.s32 $0x0;
	s29 =	simm.s32 $0x1;
	[tilespmem:s26+$0x0] =	vst v0  }
0x1d: {  	[hbm4b:s5+s28] =	stream.linear.scatter [tilespmem:s28], [sflag:$0x2], $0x400, $0x38;
	[tilespmem:$0x780] =	vst v63  }
0x1e: {  	_ =	swait.ge [sflag:s29], $0x330  }
0x1f: {  	s2 =	sadd.s32 s4, s2;
	[sflag:s29] =	ssyncset.done $0x0  }
0x20: {  	s30 =	simm.s32 $0x400;
	s31 =	simm.s32 $0x2;
	[sflag:s29] =	ssyncadd.s32 $0xFFFFFCD0  }
0x21: {  	[hbm4b:s2+s28] =	stream.linear.scatter [tilespmem:s30], [sflag:$0x1], $0x330, $0x38;
	[tilespmem:$0x780] =	vst v63  }
0x22: {  	_ =	swait.ge [sflag:s31], $0x400  }
0x23: {  	[sflag:s31] =	ssyncset.done $0x0  }
0x24: {  	[sflag:s31] =	ssyncadd.s32 $0xFFFFFC00  }
0x25: {  	_ =	swait.ge [sflag:s29], $0x330  }
0x26: {  	[sflag:s29] =	ssyncset.done $0x0  }
0x27: {  	[sflag:s29] =	ssyncadd.s32 $0xFFFFFCD0  }
0x28: {  	_ =	sfence.sel $0x180000  }
0x29: {  	[bflag:$0x0] =	sbarrier.arrive $0xFFFF  }
0x2a: {  	p0 =	sne.s32 s0, $0x0;
	_ =	strace $0x90000047  }
0x2b: {  	s0 =	sadd.s32 @!p0 $0x100000, s1;
	[bflag:$0x2] =	sbarrier.arrive $0xFFFF  }
0x2c: {  	[sflag:s0] =	ssyncadd.tile.s32 @!p0 $0x1;
	_ =	shalt  }
.Lfunc_end2:
_tile_overlayer_lowered:
.L_overlay_start_2:
0x2d: {  	(tag) =	ssettag $0x2  }
0x2e: {  	s0 =	rddreg [dreg:$0x0];
	s2 =	stileid.u32  }
0x2f: {  	s1 =	rddreg [dreg:$0x1];
	p0 =	sne.s32 s2, $0x0  }
0x30: {  	s3 =	rddreg [dreg:$0x2];
	[bflag:$0x3] =	sbarrier.arrive $0xFFFF;
	s2 =	simm.s32 @!p0 $0x1C03  }
0x31: {  	[timem:s3], [sflag:s2] =	dma.local @!p0 [hbm:s0], s1  }
0x32: {  	s0 =	simm.s32 @!p0 $0x3  }
0x33: {  	_ =	swait.ge @!p0 [sflag:s0], s1  }
0x34: {  	s1 =	ssub.s32 @!p0 $0x0, s1;
	[sflag:s0] =	ssyncset.done @!p0 $0x0  }
0x35: {  	[sflag:s0] =	ssyncadd.s32 @!p0 s1  }
0x36: {  	[bflag:$0x3] =	sbarrier.arrive $0xFFFF  }
0x37: {  	_ =	shalt  }

</sc_bundles>
